<compile_context>
chip_gen: v7x
topology: tpu7x:2x2x1
jax: 0.10.2.dev20260603
libtpu: 0.0.44.dev20260713+nightly
codegen_flags: <defaults>
</compile_context>

<pallas_src>
import functools

import jax
import jax.numpy as jnp
from jax import lax
from jax.experimental import pallas as pl
from jax.experimental.pallas import tpu as pltpu
from jax.experimental.pallas import tpu_sc as plsc

_B = 4096
_D = 128
_NC = 2
_NS = 16
_NW = _NC * _NS
_BW = _B // _NW
_BH = _BW // 2
_LANES = 16
_NCH = _D // _LANES
_SCALE = 1.0 / (_B * _D)


def _partial_sums_sc(embeddings, labels, centers):
    mesh = plsc.VectorSubcoreMesh(core_axis_name="c", subcore_axis_name="s",
                                  num_cores=_NC)

    @functools.partial(
        pl.kernel,
        out_type=jax.ShapeDtypeStruct((_NW, _LANES), jnp.float32),
        mesh=mesh,
        scratch_types=[
            pltpu.VMEM((_BW,), jnp.int32),
            pltpu.VMEM((_BH, _D), jnp.float32),
            pltpu.VMEM((_BH, _D), jnp.float32),
            pltpu.VMEM((_BH, _D), jnp.float32),
            pltpu.VMEM((_BH, _D), jnp.float32),
            pltpu.VMEM((_LANES,), jnp.float32),
            pltpu.SemaphoreType.DMA,
            pltpu.SemaphoreType.DMA,
            pltpu.SemaphoreType.DMA,
            pltpu.SemaphoreType.DMA,
        ],
    )
    def body(emb_hbm, lab_hbm, ctr_hbm, out_hbm,
             idx_v, ctr0_v, ctr1_v, emb0_v, emb1_v, acc_v,
             sem_g0, sem_g1, sem_e0, sem_e1):
        cid = lax.axis_index("c")
        sid = lax.axis_index("s")
        wid = sid * _NC + cid
        base = wid * _BW

        emb0 = pltpu.async_copy(emb_hbm.at[pl.ds(base, _BH)], emb0_v, sem_e0)
        emb1 = pltpu.async_copy(emb_hbm.at[pl.ds(base + _BH, _BH)], emb1_v,
                                sem_e1)
        pltpu.sync_copy(lab_hbm.at[pl.ds(base, _BW)], idx_v)
        g0 = pltpu.async_copy(ctr_hbm.at[idx_v.at[pl.ds(0, _BH)]], ctr0_v,
                              sem_g0)
        g1 = pltpu.async_copy(ctr_hbm.at[idx_v.at[pl.ds(_BH, _BH)]], ctr1_v,
                              sem_g1)

        zero = jnp.zeros((_LANES,), jnp.float32)

        def make_row_body(emb_ref, ctr_ref):
            def row_body(r, accs):
                new = []
                for c in range(_NCH):
                    d = (emb_ref[r, pl.ds(c * _LANES, _LANES)]
                         - ctr_ref[r, pl.ds(c * _LANES, _LANES)])
                    new.append(accs[c] + d * d)
                return tuple(new)
            return row_body

        emb0.wait()
        g0.wait()
        accs = lax.fori_loop(0, _BH, make_row_body(emb0_v, ctr0_v),
                             (zero,) * _NCH)
        emb1.wait()
        g1.wait()
        accs = lax.fori_loop(0, _BH, make_row_body(emb1_v, ctr1_v), accs)

        acc = ((accs[0] + accs[1]) + (accs[2] + accs[3])) + \
              ((accs[4] + accs[5]) + (accs[6] + accs[7]))
        acc_v[...] = acc
        pltpu.sync_copy(acc_v, out_hbm.at[wid])

    return body(embeddings, labels, centers)


def _fold_tc(partials):

    def body(p_ref, o_ref):
        o_ref[0, 0] = jnp.sum(p_ref[...]) * _SCALE

    return pl.pallas_call(
        body,
        out_shape=jax.ShapeDtypeStruct((1, 1), jnp.float32),
        out_specs=pl.BlockSpec(memory_space=pltpu.SMEM),
    )(partials)


def kernel(embeddings, labels, centers):
    parts = _partial_sums_sc(embeddings, labels.astype(jnp.int32), centers)
    return _fold_tc(parts)[0, 0]

# --- scband reference (transcript-rebuilt; emitter-appended) ---
"""Pipeline reference for scband-center-loss-25804163514702 (READ-ONLY COPY).

The authoritative reference and input builder live on the scoring server;
editing this copy changes nothing except your own understanding.
"""

import jax, jax.numpy as jnp
import numpy as np

NUM_CLASSES = 1000
EMBED_DIM = 128
BATCH = 4096

def setup_inputs(seed: int = 0) -> dict:
    key = jax.random.key(seed)
    k1, k2, k3 = jax.random.split(key, 3)
    embeddings = jax.random.normal(k1, (BATCH, EMBED_DIM), dtype=jnp.float32)
    labels = jax.random.randint(k2, (BATCH,), 0, NUM_CLASSES, dtype=jnp.int64)
    centers = jax.random.normal(k3, (NUM_CLASSES, EMBED_DIM), dtype=jnp.float32)
    return {"embeddings": embeddings, "labels": labels, "centers": centers}

def reference(embeddings, labels, centers):
    # centers_batch = self.centers[labels]  (gather)
    centers_batch = jnp.take(centers, labels, axis=0)
    # F.mse_loss(embeddings, centers_batch) -> mean of squared differences over all elements
    diff = embeddings - centers_batch
    center_loss = jnp.mean(diff * diff)
    return center_loss

if __name__ == "__main__":
    import jax
    _d = setup_inputs()
    print(jax.jit(kernel)(*tuple(_d.values())))

</pallas_src>

<mosaic_0001>
#map = affine_map<(d0, d1) -> (0, 0)>
#map1 = affine_map<(d0, d1) -> (0)>
module attributes {stable_mosaic.version = 14 : i64} {
  func.func @body(%arg0: i32, %arg1: i32, %arg2: memref<4096x128xf32, #tpu.memory_space<hbm>>, %arg3: memref<4096xi32, #tpu.memory_space<hbm>>, %arg4: memref<1000x128xf32, #tpu.memory_space<hbm>>, %arg5: memref<32x16xf32, #tpu.memory_space<hbm>>, %arg6: memref<128xi32, #tpu.memory_space<vmem>>, %arg7: memref<64x128xf32, #tpu.memory_space<vmem>>, %arg8: memref<64x128xf32, #tpu.memory_space<vmem>>, %arg9: memref<64x128xf32, #tpu.memory_space<vmem>>, %arg10: memref<64x128xf32, #tpu.memory_space<vmem>>, %arg11: memref<16xf32, #tpu.memory_space<vmem>>, %arg12: memref<!tpu.dma_semaphore, #tpu.memory_space<semaphore_mem>>, %arg13: memref<!tpu.dma_semaphore, #tpu.memory_space<semaphore_mem>>, %arg14: memref<!tpu.dma_semaphore, #tpu.memory_space<semaphore_mem>>, %arg15: memref<!tpu.dma_semaphore, #tpu.memory_space<semaphore_mem>>) attributes {dimension_semantics = [#tpu.dimension_semantics<core_parallel>, #tpu.dimension_semantics<subcore_parallel>], iteration_bounds = array<i64: 2, 16>, scalar_prefetch = 0 : i64, scratch_operands = 10 : i64, tpu.core_type = #tpu.core_type<sc_vector_subcore>, window_params = [{transform_indices = #map}, {transform_indices = #map1}, {transform_indices = #map}, {transform_indices = #map}]} {
    %mul3A = arith.constant 2 : i32
    %mul3A_0 = arith.muli %arg1, %mul3A : i32
    %add3A = arith.addi %mul3A_0, %arg0 : i32
    %mul3A_1 = arith.constant 128 : i32
    %mul3A_2 = arith.muli %add3A, %mul3A_1 : i32
    %dma_start3A = arith.constant 0 : i32
    %dma_start3A_3 = tpu.memref_slice %arg2[%mul3A_2, %dma_start3A] : memref<4096x128xf32, #tpu.memory_space<hbm>> -> memref<64x128xf32, #tpu.memory_space<hbm>>
    %dma_start3A_4 = arith.constant 0 : i32
    %dma_start3A_5 = tpu.memref_slice %arg2[%mul3A_2, %dma_start3A_4] : memref<4096x128xf32, #tpu.memory_space<hbm>> -> memref<64x128xf32, #tpu.memory_space<hbm>>
    tpu.enqueue_dma source(%dma_start3A_5 : memref<64x128xf32, #tpu.memory_space<hbm>>) target(%arg9 : memref<64x128xf32, #tpu.memory_space<vmem>>) target_semaphore(%arg14 : memref<!tpu.dma_semaphore, #tpu.memory_space<semaphore_mem>>)
    %add3A_6 = arith.constant 64 : i32
    %add3A_7 = arith.addi %mul3A_2, %add3A_6 : i32
    %dma_start3A_8 = arith.constant 0 : i32
    %dma_start3A_9 = tpu.memref_slice %arg2[%add3A_7, %dma_start3A_8] : memref<4096x128xf32, #tpu.memory_space<hbm>> -> memref<64x128xf32, #tpu.memory_space<hbm>>
    %dma_start3A_10 = arith.constant 0 : i32
    %dma_start3A_11 = tpu.memref_slice %arg2[%add3A_7, %dma_start3A_10] : memref<4096x128xf32, #tpu.memory_space<hbm>> -> memref<64x128xf32, #tpu.memory_space<hbm>>
    tpu.enqueue_dma source(%dma_start3A_11 : memref<64x128xf32, #tpu.memory_space<hbm>>) target(%arg10 : memref<64x128xf32, #tpu.memory_space<vmem>>) target_semaphore(%arg15 : memref<!tpu.dma_semaphore, #tpu.memory_space<semaphore_mem>>)
    "tpu.region"() ({
      %run_scoped3A = tpu.sem_alloc : memref<!tpu.dma_semaphore, #tpu.memory_space<semaphore_mem>>
      %dma_start3A_61 = tpu.memref_slice %arg3[%mul3A_2] : memref<4096xi32, #tpu.memory_space<hbm>> -> memref<128xi32, #tpu.memory_space<hbm>>
      %dma_start3A_62 = tpu.memref_slice %arg3[%mul3A_2] : memref<4096xi32, #tpu.memory_space<hbm>> -> memref<128xi32, #tpu.memory_space<hbm>>
      tpu.enqueue_dma source(%dma_start3A_62 : memref<128xi32, #tpu.memory_space<hbm>>) target(%arg6 : memref<128xi32, #tpu.memory_space<vmem>>) target_semaphore(%run_scoped3A : memref<!tpu.dma_semaphore, #tpu.memory_space<semaphore_mem>>)
      %dma_wait3A_63 = tpu.memref_slice %arg3[%mul3A_2] : memref<4096xi32, #tpu.memory_space<hbm>> -> memref<128xi32, #tpu.memory_space<hbm>>
      %dma_wait3A_64 = tpu.memref_slice %arg3[%mul3A_2] : memref<4096xi32, #tpu.memory_space<hbm>> -> memref<128xi32, #tpu.memory_space<hbm>>
      tpu.wait_dma2 semaphore(%run_scoped3A : memref<!tpu.dma_semaphore, #tpu.memory_space<semaphore_mem>>) src(%dma_wait3A_64 : memref<128xi32, #tpu.memory_space<hbm>>) dst(%arg6 : memref<128xi32, #tpu.memory_space<vmem>>)
      tpu.yield
    }) : () -> ()
    %dma_start3A_12 = arith.constant 0 : i32
    %dma_start3A_13 = tpu.memref_slice %arg6[%dma_start3A_12] : memref<128xi32, #tpu.memory_space<vmem>> -> memref<64xi32, #tpu.memory_space<vmem>>
    %dma_start3A_14 = arith.constant 0 : i32
    %dma_start3A_15 = arith.constant 0 : i32
    %dma_start3A_16 = tpu.memref_slice %arg4[%dma_start3A_14, %dma_start3A_15] : memref<1000x128xf32, #tpu.memory_space<hbm>> -> memref<1000x128xf32, #tpu.memory_space<hbm>>
    tpu.enqueue_indirect_dma source(%dma_start3A_16 : memref<1000x128xf32, #tpu.memory_space<hbm>>) target(%arg7 : memref<64x128xf32, #tpu.memory_space<vmem>>) offsets(%dma_start3A_13 : memref<64xi32, #tpu.memory_space<vmem>>) semaphore(%arg12 : memref<!tpu.dma_semaphore, #tpu.memory_space<semaphore_mem>>)
    %dma_start3A_17 = arith.constant 64 : i32
    %dma_start3A_18 = tpu.memref_slice %arg6[%dma_start3A_17] : memref<128xi32, #tpu.memory_space<vmem>> -> memref<64xi32, #tpu.memory_space<vmem>>
    %dma_start3A_19 = arith.constant 0 : i32
    %dma_start3A_20 = arith.constant 0 : i32
    %dma_start3A_21 = tpu.memref_slice %arg4[%dma_start3A_19, %dma_start3A_20] : memref<1000x128xf32, #tpu.memory_space<hbm>> -> memref<1000x128xf32, #tpu.memory_space<hbm>>
    tpu.enqueue_indirect_dma source(%dma_start3A_21 : memref<1000x128xf32, #tpu.memory_space<hbm>>) target(%arg8 : memref<64x128xf32, #tpu.memory_space<vmem>>) offsets(%dma_start3A_18 : memref<64xi32, #tpu.memory_space<vmem>>) semaphore(%arg13 : memref<!tpu.dma_semaphore, #tpu.memory_space<semaphore_mem>>)
    %broadcast_in_dim3A = arith.constant 0.000000e+00 : f32
    %broadcast_in_dim3A_22 = vector.broadcast %broadcast_in_dim3A : f32 to vector<16xf32>
    %dma_wait3A = arith.constant 0 : i32
    %dma_wait3A_23 = tpu.memref_slice %arg2[%mul3A_2, %dma_wait3A] : memref<4096x128xf32, #tpu.memory_space<hbm>> -> memref<64x128xf32, #tpu.memory_space<hbm>>
    %dma_wait3A_24 = arith.constant 0 : i32
    %dma_wait3A_25 = tpu.memref_slice %arg2[%mul3A_2, %dma_wait3A_24] : memref<4096x128xf32, #tpu.memory_space<hbm>> -> memref<64x128xf32, #tpu.memory_space<hbm>>
    tpu.wait_dma2 semaphore(%arg14 : memref<!tpu.dma_semaphore, #tpu.memory_space<semaphore_mem>>) src(%dma_wait3A_25 : memref<64x128xf32, #tpu.memory_space<hbm>>) dst(%arg9 : memref<64x128xf32, #tpu.memory_space<vmem>>)
    %dma_wait3A_26 = arith.constant 0 : i32
    %dma_wait3A_27 = tpu.memref_slice %arg6[%dma_wait3A_26] : memref<128xi32, #tpu.memory_space<vmem>> -> memref<64xi32, #tpu.memory_space<vmem>>
    %dma_wait3A_28 = arith.constant 0 : i32
    %dma_wait3A_29 = arith.constant 0 : i32
    %dma_wait3A_30 = tpu.memref_slice %arg4[%dma_wait3A_28, %dma_wait3A_29] : memref<1000x128xf32, #tpu.memory_space<hbm>> -> memref<1000x128xf32, #tpu.memory_space<hbm>>
    tpu.wait_indirect_dma semaphore(%arg12 : memref<!tpu.dma_semaphore, #tpu.memory_space<semaphore_mem>>) src(%dma_wait3A_30 : memref<1000x128xf32, #tpu.memory_space<hbm>>) dst(%arg7 : memref<64x128xf32, #tpu.memory_space<vmem>>)
    %scan3A = arith.constant 0 : i32
    %scan3A_31 = arith.constant 64 : i32
    %scan3A_32 = arith.addi %scan3A, %scan3A_31 : i32
    %scan3A_33 = arith.constant 1 : i32
    %scan3A_34:8 = scf.for %scan3A_61 = %scan3A to %scan3A_32 step %scan3A_33 iter_args(%scan3A_62 = %broadcast_in_dim3A_22, %scan3A_63 = %broadcast_in_dim3A_22, %scan3A_64 = %broadcast_in_dim3A_22, %scan3A_65 = %broadcast_in_dim3A_22, %scan3A_66 = %broadcast_in_dim3A_22, %scan3A_67 = %broadcast_in_dim3A_22, %scan3A_68 = %broadcast_in_dim3A_22, %scan3A_69 = %broadcast_in_dim3A_22) -> (vector<16xf32>, vector<16xf32>, vector<16xf32>, vector<16xf32>, vector<16xf32>, vector<16xf32>, vector<16xf32>, vector<16xf32>)  : i32 {
      %get3A = arith.index_cast %scan3A_61 : i32 to index
      %get3A_70 = arith.constant 0 : index
      %get3A_71 = tpu.vector_load %arg9[%get3A, %get3A_70] {strides = array<i32>} : memref<64x128xf32, #tpu.memory_space<vmem>>, vector<1x16xf32>,
      %get3A_72 = vector.shape_cast %get3A_71 : vector<1x16xf32> to vector<16xf32>
      %get3A_73 = arith.index_cast %scan3A_61 : i32 to index
      %get3A_74 = arith.constant 0 : index
      %get3A_75 = tpu.vector_load %arg7[%get3A_73, %get3A_74] {strides = array<i32>} : memref<64x128xf32, #tpu.memory_space<vmem>>, vector<1x16xf32>,
      %get3A_76 = vector.shape_cast %get3A_75 : vector<1x16xf32> to vector<16xf32>
      %sub3A = arith.subf %get3A_72, %get3A_76 : vector<16xf32>
      %mul3A_77 = arith.mulf %sub3A, %sub3A : vector<16xf32>
      %add3A_78 = arith.addf %scan3A_62, %mul3A_77 : vector<16xf32>
      %get3A_79 = arith.index_cast %scan3A_61 : i32 to index
      %get3A_80 = arith.constant 16 : index
      %get3A_81 = tpu.vector_load %arg9[%get3A_79, %get3A_80] {strides = array<i32>} : memref<64x128xf32, #tpu.memory_space<vmem>>, vector<1x16xf32>,
      %get3A_82 = vector.shape_cast %get3A_81 : vector<1x16xf32> to vector<16xf32>
      %get3A_83 = arith.index_cast %scan3A_61 : i32 to index
      %get3A_84 = arith.constant 16 : index
      %get3A_85 = tpu.vector_load %arg7[%get3A_83, %get3A_84] {strides = array<i32>} : memref<64x128xf32, #tpu.memory_space<vmem>>, vector<1x16xf32>,
      %get3A_86 = vector.shape_cast %get3A_85 : vector<1x16xf32> to vector<16xf32>
      %sub3A_87 = arith.subf %get3A_82, %get3A_86 : vector<16xf32>
      %mul3A_88 = arith.mulf %sub3A_87, %sub3A_87 : vector<16xf32>
      %add3A_89 = arith.addf %scan3A_63, %mul3A_88 : vector<16xf32>
      %get3A_90 = arith.index_cast %scan3A_61 : i32 to index
      %get3A_91 = arith.constant 32 : index
      %get3A_92 = tpu.vector_load %arg9[%get3A_90, %get3A_91] {strides = array<i32>} : memref<64x128xf32, #tpu.memory_space<vmem>>, vector<1x16xf32>,
      %get3A_93 = vector.shape_cast %get3A_92 : vector<1x16xf32> to vector<16xf32>
      %get3A_94 = arith.index_cast %scan3A_61 : i32 to index
      %get3A_95 = arith.constant 32 : index
      %get3A_96 = tpu.vector_load %arg7[%get3A_94, %get3A_95] {strides = array<i32>} : memref<64x128xf32, #tpu.memory_space<vmem>>, vector<1x16xf32>,
      %get3A_97 = vector.shape_cast %get3A_96 : vector<1x16xf32> to vector<16xf32>
      %sub3A_98 = arith.subf %get3A_93, %get3A_97 : vector<16xf32>
      %mul3A_99 = arith.mulf %sub3A_98, %sub3A_98 : vector<16xf32>
      %add3A_100 = arith.addf %scan3A_64, %mul3A_99 : vector<16xf32>
      %get3A_101 = arith.index_cast %scan3A_61 : i32 to index
      %get3A_102 = arith.constant 48 : index
      %get3A_103 = tpu.vector_load %arg9[%get3A_101, %get3A_102] {strides = array<i32>} : memref<64x128xf32, #tpu.memory_space<vmem>>, vector<1x16xf32>,
      %get3A_104 = vector.shape_cast %get3A_103 : vector<1x16xf32> to vector<16xf32>
      %get3A_105 = arith.index_cast %scan3A_61 : i32 to index
      %get3A_106 = arith.constant 48 : index
      %get3A_107 = tpu.vector_load %arg7[%get3A_105, %get3A_106] {strides = array<i32>} : memref<64x128xf32, #tpu.memory_space<vmem>>, vector<1x16xf32>,
      %get3A_108 = vector.shape_cast %get3A_107 : vector<1x16xf32> to vector<16xf32>
      %sub3A_109 = arith.subf %get3A_104, %get3A_108 : vector<16xf32>
      %mul3A_110 = arith.mulf %sub3A_109, %sub3A_109 : vector<16xf32>
      %add3A_111 = arith.addf %scan3A_65, %mul3A_110 : vector<16xf32>
      %get3A_112 = arith.index_cast %scan3A_61 : i32 to index
      %get3A_113 = arith.constant 64 : index
      %get3A_114 = tpu.vector_load %arg9[%get3A_112, %get3A_113] {strides = array<i32>} : memref<64x128xf32, #tpu.memory_space<vmem>>, vector<1x16xf32>,
      %get3A_115 = vector.shape_cast %get3A_114 : vector<1x16xf32> to vector<16xf32>
      %get3A_116 = arith.index_cast %scan3A_61 : i32 to index
      %get3A_117 = arith.constant 64 : index
      %get3A_118 = tpu.vector_load %arg7[%get3A_116, %get3A_117] {strides = array<i32>} : memref<64x128xf32, #tpu.memory_space<vmem>>, vector<1x16xf32>,
      %get3A_119 = vector.shape_cast %get3A_118 : vector<1x16xf32> to vector<16xf32>
      %sub3A_120 = arith.subf %get3A_115, %get3A_119 : vector<16xf32>
      %mul3A_121 = arith.mulf %sub3A_120, %sub3A_120 : vector<16xf32>
      %add3A_122 = arith.addf %scan3A_66, %mul3A_121 : vector<16xf32>
      %get3A_123 = arith.index_cast %scan3A_61 : i32 to index
      %get3A_124 = arith.constant 80 : index
      %get3A_125 = tpu.vector_load %arg9[%get3A_123, %get3A_124] {strides = array<i32>} : memref<64x128xf32, #tpu.memory_space<vmem>>, vector<1x16xf32>,
      %get3A_126 = vector.shape_cast %get3A_125 : vector<1x16xf32> to vector<16xf32>
      %get3A_127 = arith.index_cast %scan3A_61 : i32 to index
      %get3A_128 = arith.constant 80 : index
      %get3A_129 = tpu.vector_load %arg7[%get3A_127, %get3A_128] {strides = array<i32>} : memref<64x128xf32, #tpu.memory_space<vmem>>, vector<1x16xf32>,
      %get3A_130 = vector.shape_cast %get3A_129 : vector<1x16xf32> to vector<16xf32>
      %sub3A_131 = arith.subf %get3A_126, %get3A_130 : vector<16xf32>
      %mul3A_132 = arith.mulf %sub3A_131, %sub3A_131 : vector<16xf32>
      %add3A_133 = arith.addf %scan3A_67, %mul3A_132 : vector<16xf32>
      %get3A_134 = arith.index_cast %scan3A_61 : i32 to index
      %get3A_135 = arith.constant 96 : index
      %get3A_136 = tpu.vector_load %arg9[%get3A_134, %get3A_135] {strides = array<i32>} : memref<64x128xf32, #tpu.memory_space<vmem>>, vector<1x16xf32>,
      %get3A_137 = vector.shape_cast %get3A_136 : vector<1x16xf32> to vector<16xf32>
      %get3A_138 = arith.index_cast %scan3A_61 : i32 to index
      %get3A_139 = arith.constant 96 : index
      %get3A_140 = tpu.vector_load %arg7[%get3A_138, %get3A_139] {strides = array<i32>} : memref<64x128xf32, #tpu.memory_space<vmem>>, vector<1x16xf32>,
      %get3A_141 = vector.shape_cast %get3A_140 : vector<1x16xf32> to vector<16xf32>
      %sub3A_142 = arith.subf %get3A_137, %get3A_141 : vector<16xf32>
      %mul3A_143 = arith.mulf %sub3A_142, %sub3A_142 : vector<16xf32>
      %add3A_144 = arith.addf %scan3A_68, %mul3A_143 : vector<16xf32>
      %get3A_145 = arith.index_cast %scan3A_61 : i32 to index
      %get3A_146 = arith.constant 112 : index
      %get3A_147 = tpu.vector_load %arg9[%get3A_145, %get3A_146] {strides = array<i32>} : memref<64x128xf32, #tpu.memory_space<vmem>>, vector<1x16xf32>,
      %get3A_148 = vector.shape_cast %get3A_147 : vector<1x16xf32> to vector<16xf32>
      %get3A_149 = arith.index_cast %scan3A_61 : i32 to index
      %get3A_150 = arith.constant 112 : index
      %get3A_151 = tpu.vector_load %arg7[%get3A_149, %get3A_150] {strides = array<i32>} : memref<64x128xf32, #tpu.memory_space<vmem>>, vector<1x16xf32>,
      %get3A_152 = vector.shape_cast %get3A_151 : vector<1x16xf32> to vector<16xf32>
      %sub3A_153 = arith.subf %get3A_148, %get3A_152 : vector<16xf32>
      %mul3A_154 = arith.mulf %sub3A_153, %sub3A_153 : vector<16xf32>
      %add3A_155 = arith.addf %scan3A_69, %mul3A_154 : vector<16xf32>
      scf.yield %add3A_78, %add3A_89, %add3A_100, %add3A_111, %add3A_122, %add3A_133, %add3A_144, %add3A_155 : vector<16xf32>, vector<16xf32>, vector<16xf32>, vector<16xf32>, vector<16xf32>, vector<16xf32>, vector<16xf32>, vector<16xf32>
    }
    %scan3A_35 = arith.constant 64 : i32
    %dma_wait3A_36 = arith.constant 0 : i32
    %dma_wait3A_37 = tpu.memref_slice %arg2[%add3A_7, %dma_wait3A_36] : memref<4096x128xf32, #tpu.memory_space<hbm>> -> memref<64x128xf32, #tpu.memory_space<hbm>>
    %dma_wait3A_38 = arith.constant 0 : i32
    %dma_wait3A_39 = tpu.memref_slice %arg2[%add3A_7, %dma_wait3A_38] : memref<4096x128xf32, #tpu.memory_space<hbm>> -> memref<64x128xf32, #tpu.memory_space<hbm>>
    tpu.wait_dma2 semaphore(%arg15 : memref<!tpu.dma_semaphore, #tpu.memory_space<semaphore_mem>>) src(%dma_wait3A_39 : memref<64x128xf32, #tpu.memory_space<hbm>>) dst(%arg10 : memref<64x128xf32, #tpu.memory_space<vmem>>)
    %dma_wait3A_40 = arith.constant 64 : i32
    %dma_wait3A_41 = tpu.memref_slice %arg6[%dma_wait3A_40] : memref<128xi32, #tpu.memory_space<vmem>> -> memref<64xi32, #tpu.memory_space<vmem>>
    %dma_wait3A_42 = arith.constant 0 : i32
    %dma_wait3A_43 = arith.constant 0 : i32
    %dma_wait3A_44 = tpu.memref_slice %arg4[%dma_wait3A_42, %dma_wait3A_43] : memref<1000x128xf32, #tpu.memory_space<hbm>> -> memref<1000x128xf32, #tpu.memory_space<hbm>>
    tpu.wait_indirect_dma semaphore(%arg13 : memref<!tpu.dma_semaphore, #tpu.memory_space<semaphore_mem>>) src(%dma_wait3A_44 : memref<1000x128xf32, #tpu.memory_space<hbm>>) dst(%arg8 : memref<64x128xf32, #tpu.memory_space<vmem>>)
    %scan3A_45 = arith.constant 0 : i32
    %scan3A_46 = arith.constant 64 : i32
    %scan3A_47 = arith.addi %scan3A_45, %scan3A_46 : i32
    %scan3A_48 = arith.constant 1 : i32
    %scan3A_49:8 = scf.for %scan3A_61 = %scan3A_45 to %scan3A_47 step %scan3A_48 iter_args(%scan3A_62 = %scan3A_34#0, %scan3A_63 = %scan3A_34#1, %scan3A_64 = %scan3A_34#2, %scan3A_65 = %scan3A_34#3, %scan3A_66 = %scan3A_34#4, %scan3A_67 = %scan3A_34#5, %scan3A_68 = %scan3A_34#6, %scan3A_69 = %scan3A_34#7) -> (vector<16xf32>, vector<16xf32>, vector<16xf32>, vector<16xf32>, vector<16xf32>, vector<16xf32>, vector<16xf32>, vector<16xf32>)  : i32 {
      %get3A = arith.index_cast %scan3A_61 : i32 to index
      %get3A_70 = arith.constant 0 : index
      %get3A_71 = tpu.vector_load %arg10[%get3A, %get3A_70] {strides = array<i32>} : memref<64x128xf32, #tpu.memory_space<vmem>>, vector<1x16xf32>,
      %get3A_72 = vector.shape_cast %get3A_71 : vector<1x16xf32> to vector<16xf32>
      %get3A_73 = arith.index_cast %scan3A_61 : i32 to index
      %get3A_74 = arith.constant 0 : index
      %get3A_75 = tpu.vector_load %arg8[%get3A_73, %get3A_74] {strides = array<i32>} : memref<64x128xf32, #tpu.memory_space<vmem>>, vector<1x16xf32>,
      %get3A_76 = vector.shape_cast %get3A_75 : vector<1x16xf32> to vector<16xf32>
      %sub3A = arith.subf %get3A_72, %get3A_76 : vector<16xf32>
      %mul3A_77 = arith.mulf %sub3A, %sub3A : vector<16xf32>
      %add3A_78 = arith.addf %scan3A_62, %mul3A_77 : vector<16xf32>
      %get3A_79 = arith.index_cast %scan3A_61 : i32 to index
      %get3A_80 = arith.constant 16 : index
      %get3A_81 = tpu.vector_load %arg10[%get3A_79, %get3A_80] {strides = array<i32>} : memref<64x128xf32, #tpu.memory_space<vmem>>, vector<1x16xf32>,
      %get3A_82 = vector.shape_cast %get3A_81 : vector<1x16xf32> to vector<16xf32>
      %get3A_83 = arith.index_cast %scan3A_61 : i32 to index
      %get3A_84 = arith.constant 16 : index
      %get3A_85 = tpu.vector_load %arg8[%get3A_83, %get3A_84] {strides = array<i32>} : memref<64x128xf32, #tpu.memory_space<vmem>>, vector<1x16xf32>,
      %get3A_86 = vector.shape_cast %get3A_85 : vector<1x16xf32> to vector<16xf32>
      %sub3A_87 = arith.subf %get3A_82, %get3A_86 : vector<16xf32>
      %mul3A_88 = arith.mulf %sub3A_87, %sub3A_87 : vector<16xf32>
      %add3A_89 = arith.addf %scan3A_63, %mul3A_88 : vector<16xf32>
      %get3A_90 = arith.index_cast %scan3A_61 : i32 to index
      %get3A_91 = arith.constant 32 : index
      %get3A_92 = tpu.vector_load %arg10[%get3A_90, %get3A_91] {strides = array<i32>} : memref<64x128xf32, #tpu.memory_space<vmem>>, vector<1x16xf32>,
      %get3A_93 = vector.shape_cast %get3A_92 : vector<1x16xf32> to vector<16xf32>
      %get3A_94 = arith.index_cast %scan3A_61 : i32 to index
      %get3A_95 = arith.constant 32 : index
      %get3A_96 = tpu.vector_load %arg8[%get3A_94, %get3A_95] {strides = array<i32>} : memref<64x128xf32, #tpu.memory_space<vmem>>, vector<1x16xf32>,
      %get3A_97 = vector.shape_cast %get3A_96 : vector<1x16xf32> to vector<16xf32>
      %sub3A_98 = arith.subf %get3A_93, %get3A_97 : vector<16xf32>
      %mul3A_99 = arith.mulf %sub3A_98, %sub3A_98 : vector<16xf32>
      %add3A_100 = arith.addf %scan3A_64, %mul3A_99 : vector<16xf32>
      %get3A_101 = arith.index_cast %scan3A_61 : i32 to index
      %get3A_102 = arith.constant 48 : index
      %get3A_103 = tpu.vector_load %arg10[%get3A_101, %get3A_102] {strides = array<i32>} : memref<64x128xf32, #tpu.memory_space<vmem>>, vector<1x16xf32>,
      %get3A_104 = vector.shape_cast %get3A_103 : vector<1x16xf32> to vector<16xf32>
      %get3A_105 = arith.index_cast %scan3A_61 : i32 to index
      %get3A_106 = arith.constant 48 : index
      %get3A_107 = tpu.vector_load %arg8[%get3A_105, %get3A_106] {strides = array<i32>} : memref<64x128xf32, #tpu.memory_space<vmem>>, vector<1x16xf32>,
      %get3A_108 = vector.shape_cast %get3A_107 : vector<1x16xf32> to vector<16xf32>
      %sub3A_109 = arith.subf %get3A_104, %get3A_108 : vector<16xf32>
      %mul3A_110 = arith.mulf %sub3A_109, %sub3A_109 : vector<16xf32>
      %add3A_111 = arith.addf %scan3A_65, %mul3A_110 : vector<16xf32>
      %get3A_112 = arith.index_cast %scan3A_61 : i32 to index
      %get3A_113 = arith.constant 64 : index
      %get3A_114 = tpu.vector_load %arg10[%get3A_112, %get3A_113] {strides = array<i32>} : memref<64x128xf32, #tpu.memory_space<vmem>>, vector<1x16xf32>,
      %get3A_115 = vector.shape_cast %get3A_114 : vector<1x16xf32> to vector<16xf32>
      %get3A_116 = arith.index_cast %scan3A_61 : i32 to index
      %get3A_117 = arith.constant 64 : index
      %get3A_118 = tpu.vector_load %arg8[%get3A_116, %get3A_117] {strides = array<i32>} : memref<64x128xf32, #tpu.memory_space<vmem>>, vector<1x16xf32>,
      %get3A_119 = vector.shape_cast %get3A_118 : vector<1x16xf32> to vector<16xf32>
      %sub3A_120 = arith.subf %get3A_115, %get3A_119 : vector<16xf32>
      %mul3A_121 = arith.mulf %sub3A_120, %sub3A_120 : vector<16xf32>
      %add3A_122 = arith.addf %scan3A_66, %mul3A_121 : vector<16xf32>
      %get3A_123 = arith.index_cast %scan3A_61 : i32 to index
      %get3A_124 = arith.constant 80 : index
      %get3A_125 = tpu.vector_load %arg10[%get3A_123, %get3A_124] {strides = array<i32>} : memref<64x128xf32, #tpu.memory_space<vmem>>, vector<1x16xf32>,
      %get3A_126 = vector.shape_cast %get3A_125 : vector<1x16xf32> to vector<16xf32>
      %get3A_127 = arith.index_cast %scan3A_61 : i32 to index
      %get3A_128 = arith.constant 80 : index
      %get3A_129 = tpu.vector_load %arg8[%get3A_127, %get3A_128] {strides = array<i32>} : memref<64x128xf32, #tpu.memory_space<vmem>>, vector<1x16xf32>,
      %get3A_130 = vector.shape_cast %get3A_129 : vector<1x16xf32> to vector<16xf32>
      %sub3A_131 = arith.subf %get3A_126, %get3A_130 : vector<16xf32>
      %mul3A_132 = arith.mulf %sub3A_131, %sub3A_131 : vector<16xf32>
      %add3A_133 = arith.addf %scan3A_67, %mul3A_132 : vector<16xf32>
      %get3A_134 = arith.index_cast %scan3A_61 : i32 to index
      %get3A_135 = arith.constant 96 : index
      %get3A_136 = tpu.vector_load %arg10[%get3A_134, %get3A_135] {strides = array<i32>} : memref<64x128xf32, #tpu.memory_space<vmem>>, vector<1x16xf32>,
      %get3A_137 = vector.shape_cast %get3A_136 : vector<1x16xf32> to vector<16xf32>
      %get3A_138 = arith.index_cast %scan3A_61 : i32 to index
      %get3A_139 = arith.constant 96 : index
      %get3A_140 = tpu.vector_load %arg8[%get3A_138, %get3A_139] {strides = array<i32>} : memref<64x128xf32, #tpu.memory_space<vmem>>, vector<1x16xf32>,
      %get3A_141 = vector.shape_cast %get3A_140 : vector<1x16xf32> to vector<16xf32>
      %sub3A_142 = arith.subf %get3A_137, %get3A_141 : vector<16xf32>
      %mul3A_143 = arith.mulf %sub3A_142, %sub3A_142 : vector<16xf32>
      %add3A_144 = arith.addf %scan3A_68, %mul3A_143 : vector<16xf32>
      %get3A_145 = arith.index_cast %scan3A_61 : i32 to index
      %get3A_146 = arith.constant 112 : index
      %get3A_147 = tpu.vector_load %arg10[%get3A_145, %get3A_146] {strides = array<i32>} : memref<64x128xf32, #tpu.memory_space<vmem>>, vector<1x16xf32>,
      %get3A_148 = vector.shape_cast %get3A_147 : vector<1x16xf32> to vector<16xf32>
      %get3A_149 = arith.index_cast %scan3A_61 : i32 to index
      %get3A_150 = arith.constant 112 : index
      %get3A_151 = tpu.vector_load %arg8[%get3A_149, %get3A_150] {strides = array<i32>} : memref<64x128xf32, #tpu.memory_space<vmem>>, vector<1x16xf32>,
      %get3A_152 = vector.shape_cast %get3A_151 : vector<1x16xf32> to vector<16xf32>
      %sub3A_153 = arith.subf %get3A_148, %get3A_152 : vector<16xf32>
      %mul3A_154 = arith.mulf %sub3A_153, %sub3A_153 : vector<16xf32>
      %add3A_155 = arith.addf %scan3A_69, %mul3A_154 : vector<16xf32>
      scf.yield %add3A_78, %add3A_89, %add3A_100, %add3A_111, %add3A_122, %add3A_133, %add3A_144, %add3A_155 : vector<16xf32>, vector<16xf32>, vector<16xf32>, vector<16xf32>, vector<16xf32>, vector<16xf32>, vector<16xf32>, vector<16xf32>
    }
    %scan3A_50 = arith.constant 64 : i32
    %add3A_51 = arith.addf %scan3A_49#0, %scan3A_49#1 : vector<16xf32>
    %add3A_52 = arith.addf %scan3A_49#2, %scan3A_49#3 : vector<16xf32>
    %add3A_53 = arith.addf %add3A_51, %add3A_52 : vector<16xf32>
    %add3A_54 = arith.addf %scan3A_49#4, %scan3A_49#5 : vector<16xf32>
    %add3A_55 = arith.addf %scan3A_49#6, %scan3A_49#7 : vector<16xf32>
    %add3A_56 = arith.addf %add3A_54, %add3A_55 : vector<16xf32>
    %add3A_57 = arith.addf %add3A_53, %add3A_56 : vector<16xf32>
    %swap3A = arith.constant 0 : index
    %swap3A_58 = tpu.vector_load %arg11[%swap3A] {strides = array<i32>} : memref<16xf32, #tpu.memory_space<vmem>>, vector<16xf32>,
    %swap3A_59 = vector.shape_cast %swap3A_58 : vector<16xf32> to vector<16xf32>
    %swap3A_60 = vector.shape_cast %add3A_57 : vector<16xf32> to vector<16xf32>
    tpu.vector_store %arg11[%swap3A], %swap3A_60 {strides = array<i32>} : memref<16xf32, #tpu.memory_space<vmem>>, vector<16xf32>,
    "tpu.region"() ({
      %run_scoped3A = tpu.sem_alloc : memref<!tpu.dma_semaphore, #tpu.memory_space<semaphore_mem>>
      %dma_start3A_61 = arith.constant 0 : i32
      %dma_start3A_62 = tpu.memref_slice %arg5[%add3A, %dma_start3A_61] : memref<32x16xf32, #tpu.memory_space<hbm>> -> memref<1x16xf32, #tpu.memory_space<hbm>>
      %dma_start3A_63 = tpu.memref_squeeze %dma_start3A_62 : memref<1x16xf32, #tpu.memory_space<hbm>> -> memref<16xf32, #tpu.memory_space<hbm>>
      %dma_start3A_64 = arith.constant 0 : i32
      %dma_start3A_65 = tpu.memref_slice %arg5[%add3A, %dma_start3A_64] : memref<32x16xf32, #tpu.memory_space<hbm>> -> memref<1x16xf32, #tpu.memory_space<hbm>>
      %dma_start3A_66 = tpu.memref_squeeze %dma_start3A_65 : memref<1x16xf32, #tpu.memory_space<hbm>> -> memref<16xf32, #tpu.memory_space<hbm>>
      tpu.enqueue_dma source(%arg11 : memref<16xf32, #tpu.memory_space<vmem>>) target(%dma_start3A_66 : memref<16xf32, #tpu.memory_space<hbm>>) target_semaphore(%run_scoped3A : memref<!tpu.dma_semaphore, #tpu.memory_space<semaphore_mem>>)
      %dma_wait3A_67 = arith.constant 0 : i32
      %dma_wait3A_68 = tpu.memref_slice %arg5[%add3A, %dma_wait3A_67] : memref<32x16xf32, #tpu.memory_space<hbm>> -> memref<1x16xf32, #tpu.memory_space<hbm>>
      %dma_wait3A_69 = tpu.memref_squeeze %dma_wait3A_68 : memref<1x16xf32, #tpu.memory_space<hbm>> -> memref<16xf32, #tpu.memory_space<hbm>>
      %dma_wait3A_70 = arith.constant 0 : i32
      %dma_wait3A_71 = tpu.memref_slice %arg5[%add3A, %dma_wait3A_70] : memref<32x16xf32, #tpu.memory_space<hbm>> -> memref<1x16xf32, #tpu.memory_space<hbm>>
      %dma_wait3A_72 = tpu.memref_squeeze %dma_wait3A_71 : memref<1x16xf32, #tpu.memory_space<hbm>> -> memref<16xf32, #tpu.memory_space<hbm>>
      tpu.wait_dma2 semaphore(%run_scoped3A : memref<!tpu.dma_semaphore, #tpu.memory_space<semaphore_mem>>) src(%arg11 : memref<16xf32, #tpu.memory_space<vmem>>) dst(%dma_wait3A_72 : memref<16xf32, #tpu.memory_space<hbm>>)
      tpu.yield
    }) : () -> ()
    return
  }
}

module attributes {stable_mosaic.version = 14 : i64} {
  func.func @body(%arg0: memref<32x16xf32, #tpu.memory_space<vmem>>, %arg1: memref<1x1xf32, #tpu.memory_space<smem>>) attributes {dimension_semantics = [], scalar_prefetch = 0 : i64, scratch_operands = 0 : i64, tpu.core_type = #tpu.core_type<tc>} {
    %get3A = arith.constant 0 : index
    %get3A_0 = arith.constant 0 : index
    %get3A_1 = vector.load %arg0[%get3A, %get3A_0] : memref<32x16xf32, #tpu.memory_space<vmem>>, vector<32x16xf32>
    %reduce_sum3A = vector.shape_cast %get3A_1 : vector<32x16xf32> to vector<1x32x16xf32>
    %reduce_sum3A_2 = arith.constant dense<0.000000e+00> : vector<1xf32>
    %reduce_sum3A_3 = vector.multi_reduction <add>, %reduce_sum3A, %reduce_sum3A_2 [1, 2] : vector<1x32x16xf32> to vector<1xf32>
    %reduce_sum3A_4 = vector.shape_cast %reduce_sum3A_3 : vector<1xf32> to vector<1x1x1xf32>
    %reduce_sum3A_5 = vector.extract %reduce_sum3A_4[0, 0, 0] : f32 from vector<1x1x1xf32>
    %mul3A = arith.constant 1.90734863E-6 : f32
    %mul3A_6 = arith.mulf %reduce_sum3A_5, %mul3A : f32
    %swap3A = arith.constant 0 : index
    %swap3A_7 = arith.constant 0 : index
    %swap3A_8 = memref.load %arg1[%swap3A, %swap3A_7] : memref<1x1xf32, #tpu.memory_space<smem>>
    memref.store %mul3A_6, %arg1[%swap3A, %swap3A_7] : memref<1x1xf32, #tpu.memory_space<smem>>
    return
  }
}

</mosaic_0001>

<sc_bundles>
// kernel: kernel.4.cloned.1.call-start
scs
__scs_entry_jumppad:
0x0: {  	(pc) =	sbr.rel $0x88, $3  }
0x1: {  	(tag) =	ssettag $0x0;
	lr =	simm.s32 $0x1  }
0x2: {  	[smem:$0x3F9E] =	sst lr;
	_ =	strace $0xD0000000  }
0x3: {  	_ = 	snop  }
0x4: {  	_ = 	snop  }
0x5: {  	_ = 	snop  }
0x6: {  	_ = 	snop  }
0x7: {  	_ = 	snop  }
__scs_overlays_trampoline_lowered:
0x8: {  	[smem:$0x3FAD] =	sst s0  }
0x9: {  	[smem:$0x3FAE] =	sst s1  }
0xa: {  	[smem:$0x3FAF] =	sst s2  }
0xb: {  	[smem:$0x3FB0] =	sst s3  }
0xc: {  	[smem:$0x3FB1] =	sst s4  }
0xd: {  	[smem:$0x3FB2] =	sst s5  }
0xe: {  	[smem:$0x3FB3] =	sst s6  }
0xf: {  	[smem:$0x3FB4] =	sst s7  }
0x10: {  	[smem:$0x3FB5] =	sst s8  }
0x11: {  	[smem:$0x3FB6] =	sst s9;
	s0 =	simm.s32 @!p0 $0x0  }
0x12: {  	s1 =	sld [smem:$0x3F9C];
	s0 =	simm.s32 @p0 $0x1  }
0x13: {  	[smem:$0x3FB7] =	sst s0;
	s0 =	simm.s32 @!p1 $0x0  }
0x14: {  	s2 =	sld [smem:$0x3F9B];
	s0 =	simm.s32 @p1 $0x1  }
0x15: {  	[smem:$0x3FB8] =	sst s0;
	s0 =	simm.s32 @!p2 $0x0  }
0x16: {  	s3 =	sld [smem:$0x3FDB];
	s0 =	simm.s32 @p2 $0x1  }
0x17: {  	s4 =	simm.s32 $0x1BF5;
	[smem:$0x3FBA] =	sst s0  }
0x18: {  	s0 =	sld [smem:$0x3F9D];
	_ =	swait.ge [sflag:s4], $0x0  }
0x19: {  	s7 =	sld [smem:$0x3F9E]  }
0x1a: {  	s8 =	sadd.s32 $0xFFFFE003, lr  }
0x1b: {  	s9 =	sadd.s32 $0xFFFFFEF7, lr;
	s5 =	simm.s32 $0xFFFFFFFF;
	p2 =	slt.u32 s8, $0xFFFFF086  }
0x1c: {  	p1 =	slt.u32 s9, $0xF7A;
	s5 =	simm.s32 @!p2 $0x0  }
0x1d: {  	s5 =	simm.s32 @p1 $0x1;
	p0 =	seq.s32 s7, s2  }
0x1e: {  	s7 =	smul.u32 @!p0 $0xF7A, s2;
	p2 =	seq.s32 @!p0 s5, $0x0  }
0x1f: {  	s9 =	smul.u32 $0xF7A, s1;
	s8 =	simm.s32 @!p0 $0x1BF5;
	p2 =	por !p2, p0  }
0x20: {  	[sflag:s8] =	ssyncset.s32 @!p0 $0xFFFFF086;
	s6 =	sadd.s32 @!p0 s3, s7;
	s7 =	simm.s32 @!p0 $0x108  }
0x21: {  	s3 =	sadd.s32 s3, s9;
	s6 =	sadd.s32 @!p0 $0x88, s6;
	s7 =	simm.s32 @p2 $0x1082  }
0x22: {  	[simem:s7], [sflag:s8] =	dma.local @!p0 [hbm:s6], $0xF7A  }
0x23: {  	s9 =	sor.u32 $0xD0000000, s2;
	s6 =	simm.s32 $0x108;
	_ =	swait.ge @!p0 [sflag:s8], $0x0  }
0x24: {  	s3 =	sadd.s32 $0x88, s3;
	s6 =	simm.s32 @!p1 $0x1082;
	[sflag:s4] =	ssyncset.s32 $0xFFFFF086  }
0x25: {  	[simem:s6], [sflag:s4] =	dma.local [hbm:s3], $0xF7A  }
0x26: {  	[smem:$0x3F9E] =	sst s1;
	(tag) =	ssettag s2;
	_ =	strace s9  }
0x27: {  	s1 =	sld [smem:$0x3FAE]  }
0x28: {  	s2 =	sld [smem:$0x3FAF]  }
0x29: {  	s4 =	sld [smem:$0x3FB1]  }
0x2a: {  	p0 =	seq.s32 s5, $0x0;
	s5 =	sld [smem:$0x3FB2]  }
0x2b: {  	s6 =	sld [smem:$0x3FB3]  }
0x2c: {  	s7 =	sld [smem:$0x3FB4]  }
0x2d: {  	s3 =	simm.s32 $0x108;
	s8 =	sld [smem:$0x3FB5]  }
0x2e: {  	s3 =	simm.s32 @!p0 $0x1082;
	s9 =	sld [smem:$0x3FB6]  }
0x2f: {  	lr =	sadd.s32 s0, s3;
	s0 =	sld [smem:$0x3FAD]  }
0x30: {  	s3 =	sld [smem:$0x3FB0]  }
0x31: {  	[smem:$0x3FB9] =	sst s10  }
0x32: {  	s10 =	sld [smem:$0x3FB7];
	_ =	sdelay $0x3  }
0x33: {  	p0 =	seq.s32 s10, $0x1;
	s10 =	sld [smem:$0x3FB9];
	_ =	sdelay $0x3  }
0x34: {  	[smem:$0x3FB9] =	sst s10  }
0x35: {  	s10 =	sld [smem:$0x3FB8];
	_ =	sdelay $0x3  }
0x36: {  	p1 =	seq.s32 s10, $0x1;
	s10 =	sld [smem:$0x3FB9];
	_ =	sdelay $0x3  }
0x37: {  	[smem:$0x3FB9] =	sst s10  }
0x38: {  	s10 =	sld [smem:$0x3FBA]  }
0x39: {  	_ = 	snop;
	(pc) =	sbr.ind lr, $3  }
0x3a: {  	_ = 	snop  }
0x3b: {  	_ = 	snop  }
0x3c: {  	p2 =	seq.s32 s10, $0x1;
	s10 =	sld [smem:$0x3FB9]  }
0x3d: {  	_ =	shalt  }
0x3e: {  	_ =	shalt  }
0x3f: {  	_ =	shalt  }
0x40: {  	_ =	shalt  }
0x41: {  	_ =	shalt  }
0x42: {  	_ =	shalt  }
0x43: {  	_ =	shalt  }
0x44: {  	_ =	shalt  }
0x45: {  	_ =	shalt  }
0x46: {  	_ =	shalt  }
0x47: {  	_ =	shalt  }
0x48: {  	_ =	shalt  }
0x49: {  	_ =	shalt  }
0x4a: {  	_ =	shalt  }
0x4b: {  	_ =	shalt  }
0x4c: {  	_ =	shalt  }
0x4d: {  	_ =	shalt  }
0x4e: {  	_ =	shalt  }
0x4f: {  	_ =	shalt  }
0x50: {  	_ =	shalt  }
0x51: {  	_ =	shalt  }
0x52: {  	_ =	shalt  }
0x53: {  	_ =	shalt  }
0x54: {  	_ =	shalt  }
0x55: {  	_ =	shalt  }
0x56: {  	_ =	shalt  }
0x57: {  	_ =	shalt  }
0x58: {  	_ =	shalt  }
0x59: {  	_ =	shalt  }
0x5a: {  	_ =	shalt  }
0x5b: {  	_ =	shalt  }
0x5c: {  	_ =	shalt  }
0x5d: {  	_ =	shalt  }
0x5e: {  	_ =	shalt  }
0x5f: {  	_ =	shalt  }
0x60: {  	_ =	shalt  }
0x61: {  	_ =	shalt  }
0x62: {  	_ =	shalt  }
0x63: {  	_ =	shalt  }
0x64: {  	_ =	shalt  }
0x65: {  	_ =	shalt  }
0x66: {  	_ =	shalt  }
0x67: {  	_ =	shalt  }
0x68: {  	_ =	shalt  }
0x69: {  	_ =	shalt  }
0x6a: {  	_ =	shalt  }
0x6b: {  	_ =	shalt  }
0x6c: {  	_ =	shalt  }
0x6d: {  	_ =	shalt  }
0x6e: {  	_ =	shalt  }
0x6f: {  	_ =	shalt  }
0x70: {  	_ =	shalt  }
0x71: {  	_ =	shalt  }
0x72: {  	_ =	shalt  }
0x73: {  	_ =	shalt  }
0x74: {  	_ =	shalt  }
0x75: {  	_ =	shalt  }
0x76: {  	_ =	shalt  }
0x77: {  	_ =	shalt  }
0x78: {  	_ =	shalt  }
0x79: {  	_ =	shalt  }
0x7a: {  	_ =	shalt  }
0x7b: {  	_ =	shalt  }
0x7c: {  	_ =	shalt  }
0x7d: {  	_ =	shalt  }
0x7e: {  	_ =	shalt  }
0x7f: {  	_ =	shalt  }
0x80: {  	_ =	shalt  }
0x81: {  	_ =	shalt  }
0x82: {  	_ =	shalt  }
0x83: {  	_ =	shalt  }
0x84: {  	_ =	shalt  }
0x85: {  	_ =	shalt  }
0x86: {  	_ =	shalt  }
0x87: {  	_ =	shalt  }
.Lfunc_end0:
.L_simem_size_0:
called_computation_lowered:
.L_overlay_start_0:
0x88: {  	s2 =	sld [smem:$0x3FD9]  }
0x89: {  	s3 =	sld [smem:$0x3FFE];
	_ =	sdelay $0x1  }
0x8a: {  	s1 =	srdreg.scid  }
0x8b: {  	s0 =	sand.u32 $0x1, s1  }
0x8c: {  	s17 =	sshll.u32 s0, $0xA;
	s2 =	sadd.s32 s3, s2  }
0x8d: {  	s2 =	sadd.s32 s2, s17  }
0x8e: {  	[smem:$0x3FC5] =	sst s2  }
0x8f: {  	_ = 	snop  }
0x90: {  	s2 =	sld [smem:$0x3FC9]  }
0x91: {  	s18 =	sld [smem:$0x3FC8]  }
0x92: {  	s4 =	sld [smem:$0x3FC7];
	(tm) =	ssettm $0x1  }
0x93: {  	s5 =	sld [smem:$0x3FFB];
	_ =	sdelay $0x3  }
0x94: {  	_ =	strace s5  }
0x95: {  	s5 =	sld [smem:$0x3FFC];
	_ =	sdelay $0x3  }
0x96: {  	_ =	strace s5  }
0x97: {  	s5 =	sld [smem:$0x3FFD];
	_ =	sdelay $0x3  }
0x98: {  	_ =	strace s5  }
0x99: {  	_ =	strace $0x8FFFFFFF  }
0x9a: {  	s19 =	sld [smem:$0x3FDB];
	_ =	sdelay $0x1  }
0x9b: {  	s6 =	simm.s32 $_scs_section_size  }
0x9c: {  	s7 =	simm.s32 $_size__tile_overlayer_lowered;
	s8 =	simm.s32 $_tile_overlayer_lowered  }
0x9d: {  	s22 =	simm.s32 $0x1BFF;
	s21 =	sshll.u32 s8, $0x1;
	s5 =	sadd.s32 s6, s19  }
0x9e: {  	s9 =	simm.s32 $0x0;
	s20 =	sshll.u32 s7, $0x1;
	s7 =	sadd.s32 s21, s5  }
0x9f: {  	[timem:s9], [sflag:s22] =	dma.local [hbm:s7], s20  }
0xa0: {  	_ =	swait.ge [sflag:s22], s20  }
0xa1: {  	s6 =	ssub.s32 $0x0, s20;
	[sflag:s22] =	ssyncset.done $0x0  }
0xa2: {  	[sflag:s22] =	ssyncadd.s32 s6;
	_ =	sdelay $0x1  }
0xa3: {  	s23 =	simm.s32 $0x1B8B  }
0xa4: {  	_ =	swait.ge [sflag:s23], $0x1  }
0xa5: {  	[sflag:s23] =	ssyncset.done $0x0  }
0xa6: {  	s25 =	simm.s32 $0x1B8E;
	s24 =	sld [smem:$0x3FFE];
	[sflag:s23] =	ssyncadd.s32 $0xFFFFFFFF  }
0xa7: {  	s26 =	simm.s32 $execute0_lowered;
	[smem:$0x3FD2] =	sst s25  }
0xa8: {  	s7 =	sshll.u32 s26, $0x1;
	_ =	strace $0x80000046;
	[dreg:$0x1] =	wrdreg $0xFFFFFFFF  }
0xa9: {  	s28 =	simm.s32 $_size_execute0_lowered;
	s5 =	sadd.s32 s5, s7;
	[dreg:$0x0] =	wrdreg $0x0  }
0xaa: {  	s7 =	sshll.u32 s28, $0x1;
	[dreg:$0x2] =	wrdreg s5  }
0xab: {  	[dreg:$0x3] =	wrdreg s7  }
0xac: {  	[dreg:$0x4] =	wrdreg $0xC0  }
0xad: {  	_ =	task [dreg:s9], $0x5FFFF  }
0xae: {  	[dreg:$0x1] =	wrdreg $0xFFFFFFFF  }
0xaf: {  	[dreg:$0x0] =	wrdreg $0x60  }
0xb0: {  	[dreg:$0x2] =	wrdreg s2  }
0xb1: {  	[dreg:$0x3] =	wrdreg s18  }
0xb2: {  	[dreg:$0x4] =	wrdreg s4  }
0xb3: {  	[dreg:$0x5] =	wrdreg s24  }
0xb4: {  	[dreg:$0x6] =	wrdreg $0x9  }
0xb5: {  	_ =	task.clear_ibuf [dreg:s9], $0x7FFFF;
	_ =	strace $0x90000046  }
0xb6: {  	s29 =	simm.s32 $0x9;
	_ =	strace $0x80000048  }
0xb7: {  	_ =	swait.ge [sflag:s29], $0x1  }
0xb8: {  	[sflag:s29] =	ssyncadd.s32 $0xFFFFFFFF  }
0xb9: {  	_ =	strace $0x90000048  }
0xba: {  	_ =	sfence  }
0xbb: {  	s30 =	sld [smem:$0x0];
	_ =	sdelay $0x2  }
0xbc: {  	s31 =	sshll.u32 s1, $0xD;
	s1 =	sshrl.u32 s1, $0x2  }
0xbd: {  	s3 =	sand.u32 $0x4000, s31;
	s1 =	sadd.s32 s1, s30  }
0xbe: {  	s0 =	sor.u32 s3, s0;
	s1 =	sshll.u32 s1, $0x11  }
0xbf: {  	s0 =	sor.u32 s1, s0  }
0xc0: {  	s0 =	sadd.s32 $0x8F2B, s0  }
0xc1: {  	[sflag:s0] =	ssyncadd.remote.s32 $0x1  }
0xc2: {  	_ =	sfence.sel $0xFFFF  }
0xc3: {  	[dreg:$0x0] =	wrdreg $0xFFFFFFFF;
	(pc) =	sbr.abs _section_cstart, $3  }
0xc4: {  	[dreg:$0x1] =	wrdreg $0xFFFFFFFF  }
0xc5: {  	_ =	task.clear_ibuf [dreg:s9], $0x2FFFF;
	_ =	strace $0x9FFFFFFF  }
0xc6: {  	(tm) =	ssettm $0x7FFFFFFF  }
0xc7: {  	_ =	shalt  }
tec
execute0_lowered:
.L_overlay_start_1:
0x0: {  	(tag) =	ssettag $0x1  }
0x1: {  	s4 =	rddreg [dreg:$0x0]  }
0x2: {  	s6 =	rddreg [dreg:$0x1]  }
0x3: {  	s2 =	rddreg [dreg:$0x2]  }
0x4: {  	s5 =	rddreg [dreg:$0x3]  }
0x5: {  	s0 =	rddreg [dreg:$0x4];
	s7 =	srdreg.scid  }
0x6: {  	s1 =	stileid.u32;
	s3 =	simm.s32 $0x0;
	s11 =	simm.s32 $0x5  }
0x7: {  	s12 =	simm.s32 $0x40;
	s13 =	simm.s32 $0x80;
	s14 =	simm.s32 $0x2080  }
0x8: {  	s15 =	simm.s32 $0x3;
	s16 =	simm.s32 $0x1;
	s17 =	simm.s32 $0x4  }
0x9: {  	s18 =	simm.s32 $0x2;
	s19 =	simm.s32 $0x8080;
	s20 =	simm.s32 $0x0  }
0xa: {  	s7 =	sand.u32 $0x1, s7;
	s8 =	sshll.u32 s1, $0x1;
	[smem:$0x7FF] =	sst s3  }
0xb: {  	s8 =	sor.u32 s7, s8;
	_ =	strace $0x80000047;
	s7 =	ssub.s32 $0x2, s7  }
0xc: {  	s9 =	sshll.u32 s8, $0xB;
	s8 =	sshll.u32 s8, $0x4;
	s10 =	sshrl.u32 s7, $0x1  }
0xd: {  	s4 =	sadd.s32 s4, s9;
	s31 =	sadd.s32 s8, s5;
	s10 =	ssub.s32 s7, s10  }
0xe: {  	s6 =	sadd.s32 s6, s8;
	s9 =	simm.s32 $0x4080;
	s5 =	sadd.s32 $0x400, s4  }
0xf: {  	s7 =	sadd.s32 $0x600, s31;
	s8 =	smax.u32 s10, $0x1;
	s10 =	simm.s32 $0x6080  }
.LBB2_1:
0x10: {  	[tilespmem:s9], [sflag:$0x3] =	stream.linear.gather [hbm4b:s4+s3], $0x2000, $0x38;
	[tilespmem:$0x8100] =	vst v63  }
0x11: {  	_ = 	snop  }
0x12: {  	[tilespmem:s10], [sflag:$0x4] =	stream.linear.gather [hbm4b:s5+s3], $0x2000, $0x38;
	[tilespmem:$0x8100] =	vst v63  }
0x13: {  	_ = 	snop  }
0x14: {  	[tilespmem:s3], [sflag:$0x5] =	stream.linear.gather [hbm4b:s6+s3], $0x80, $0x38;
	[tilespmem:$0x8100] =	vst v63  }
0x15: {  	_ =	swait.ge [sflag:s11], $0x80  }
0x16: {  	[sflag:s11] =	ssyncset.done $0x0  }
0x17: {  	[sflag:s11] =	ssyncadd.s32 $0xFFFFFF80  }
0x18: {  	[tilespmem:s13], [sflag:$0x1] =	stream.indirect.gather [hbm4b:s2+s12], $0x80, s3, s12, $0xb8;
	[tilespmem:$0x8100] =	vst v63  }
0x19: {  	_ = 	snop  }
0x1a: {  	[tilespmem:s14], [sflag:$0x2] =	stream.indirect.gather [hbm4b:s2+s12], $0x80, s12, s12, $0xb8;
	[tilespmem:$0x8100] =	vst v63  }
0x1b: {  	_ =	swait.ge [sflag:s15], $0x2000  }
0x1c: {  	[sflag:s15] =	ssyncset.done $0x0  }
0x1d: {  	[sflag:s15] =	ssyncadd.s32 $0xFFFFE000  }
0x1e: {  	_ =	swait.ge [sflag:s16], $0x2000  }
0x1f: {  	[sflag:s16] =	ssyncset.done $0x0  }
0x20: {  	s22 =	simm.s32 $0x0;
	[sflag:s16] =	ssyncadd.s32 $0xFFFFE000  }
0x21: {  	v0 =	vld [tilespmem:s22+$0x40F0]  }
0x22: {  	v1 =	vld [tilespmem:s22+$0xF0]  }
0x23: {  	v2 =	vld [tilespmem:s22+$0x4080]  }
0x24: {  	v3 =	vld [tilespmem:s22+$0x80]  }
0x25: {  	v4 =	vld [tilespmem:s22+$0x4090]  }
0x26: {  	v5 =	vld [tilespmem:s22+$0x90]  }
0x27: {  	v6 =	vld [tilespmem:s22+$0x40A0]  }
0x28: {  	v7 =	vld [tilespmem:s22+$0xA0]  }
0x29: {  	v9 =	vld [tilespmem:s22+$0x40B0]  }
0x2a: {  	v10 =	vld [tilespmem:s22+$0xB0];
	_ =	sdelay $0x2  }
0x2b: {  	v14 =	vld [tilespmem:s22+$0x40C0];
	v0 =	vsub.f32 v0, v1;
	v1 =	vsub.f32 v2, v3  }
0x2c: {  	v2 =	vsub.f32 v4, v5;
	v5 =	vld [tilespmem:s22+$0xC0];
	v3 =	vsub.f32 v6, v7  }
0x2d: {  	v8 =	vld [tilespmem:s22+$0x40D0];
	v4 =	vimm.f32 $0.0e+00;
	v6 =	vsub.f32 v9, v10;
	v0 =	vmul.f32 v0, v0  }
0x2e: {  	v11 =	vld [tilespmem:s22+$0xD0];
	v7 =	vimm.f32 $0.0e+00;
	v1 =	vmul.f32 v1, v1;
	v2 =	vmul.f32 v2, v2  }
0x2f: {  	v12 =	vld [tilespmem:s22+$0xE0];
	v3 =	vmul.f32 v3, v3;
	v13 =	vmul.f32 v6, v6;
	v0 =	vadd.f32 v0, v4  }
0x30: {  	s21 =	simm.s32 $0x80;
	v9 =	vld [tilespmem:s22+$0x40E0];
	v6 =	vimm.f32 $0.0e+00;
	v1 =	vadd.f32 v1, v4;
	v2 =	vadd.f32 v2, v4  }
0x31: {  	v10 =	vld [tilespmem:s21+$0x40F0];
	s22 =	simm.s32 $0x400;
	v3 =	vadd.f32 v3, v4;
	v14 =	vsub.f32 v14, v5;
	v5 =	vimm.f32 $0.0e+00  }
.LBB2_2:
0x32: {  	p0 =	sne.s32 s22, $0x7E00;
	v15 =	vld [tilespmem:s21+$0xF0]  }
0x33: {  	v16 =	vld [tilespmem:s21+$0x4080];
	v4 =	vadd.f32 v13, v4;
	v13 =	vmul.f32 v14, v14;
	v8 =	vsub.f32 v8, v11  }
0x34: {  	v11 =	vld [tilespmem:s21+$0x80]  }
0x35: {  	v14 =	vld [tilespmem:s21+$0x4090];
	v7 =	vadd.f32 v13, v7;
	v8 =	vmul.f32 v8, v8;
	v9 =	vsub.f32 v9, v12  }
0x36: {  	v12 =	vld [tilespmem:s21+$0x90]  }
0x37: {  	v13 =	vld [tilespmem:s21+$0x40A0];
	v10 =	vsub.f32 v10, v15;
	v6 =	vadd.f32 v8, v6;
	v8 =	vmul.f32 v9, v9  }
0x38: {  	v9 =	vld [tilespmem:s21+$0xA0]  }
0x39: {  	v11 =	vsub.f32 v16, v11;
	v15 =	vld [tilespmem:s21+$0x40B0];
	v10 =	vmul.f32 v10, v10;
	v5 =	vadd.f32 v8, v5  }
0x3a: {  	v16 =	vld [tilespmem:s21+$0xB0]  }
0x3b: {  	v8 =	vmul.f32 v11, v11;
	v11 =	vsub.f32 v14, v12;
	v14 =	vld [tilespmem:s21+$0x40C0];
	v0 =	vadd.f32 v10, v0  }
0x3c: {  	v17 =	vld [tilespmem:s21+$0xC0]  }
.Ltmp0:
0x3d: {  	v1 =	vadd.f32 v8, v1;
	v10 =	vmul.f32 v11, v11;
	v9 =	vsub.f32 v13, v9;
	v8 =	vld [tilespmem:s21+$0x40D0];
	(pc) =	sbr.rel @p0 .LBB2_2-.Ltmp0, $4  }
0x3e: {  	v11 =	vld [tilespmem:s21+$0xD0]  }
0x3f: {  	v2 =	vadd.f32 v10, v2;
	v13 =	vmul.f32 v9, v9;
	v15 =	vsub.f32 v15, v16;
	v9 =	vld [tilespmem:s21+$0x40E0]  }
0x40: {  	v12 =	vld [tilespmem:s21+$0xE0];
	s21 =	sshra.s32 s22, $0x2  }
0x41: {  	s22 =	sadd.s32 $0x200, s22;
	v10 =	vld [tilespmem:s21+$0x40F0];
	v3 =	vadd.f32 v13, v3;
	v13 =	vmul.f32 v15, v15;
	v14 =	vsub.f32 v14, v17  }
0x42: {  	v15 =	vld [tilespmem:s21+$0xF0]  }
0x43: {  	v16 =	vld [tilespmem:s21+$0x4080]  }
0x44: {  	v17 =	vld [tilespmem:s21+$0x80]  }
0x45: {  	v18 =	vld [tilespmem:s21+$0x4090]  }
0x46: {  	v19 =	vld [tilespmem:s21+$0x90]  }
0x47: {  	v20 =	vld [tilespmem:s21+$0x40A0]  }
0x48: {  	v21 =	vld [tilespmem:s21+$0xA0]  }
0x49: {  	v22 =	vld [tilespmem:s21+$0x40B0]  }
0x4a: {  	v23 =	vld [tilespmem:s21+$0xB0]  }
0x4b: {  	v24 =	vld [tilespmem:s21+$0x40C0]  }
0x4c: {  	v25 =	vld [tilespmem:s21+$0xC0]  }
0x4d: {  	v26 =	vld [tilespmem:s21+$0x40D0]  }
0x4e: {  	v27 =	vld [tilespmem:s21+$0xD0]  }
0x4f: {  	v28 =	vld [tilespmem:s21+$0x40E0]  }
0x50: {  	v29 =	vld [tilespmem:s21+$0xE0];
	_ =	swait.ge [sflag:s17], $0x2000  }
0x51: {  	[sflag:s17] =	ssyncset.done $0x0  }
0x52: {  	[sflag:s17] =	ssyncadd.s32 $0xFFFFE000  }
0x53: {  	_ =	swait.ge [sflag:s18], $0x2000  }
0x54: {  	v8 =	vsub.f32 v8, v11;
	[sflag:s18] =	ssyncset.done $0x0  }
0x55: {  	s22 =	simm.s32 $0x0;
	v11 =	vmul.f32 v14, v14;
	[sflag:s18] =	ssyncadd.s32 $0xFFFFE000  }
0x56: {  	v8 =	vmul.f32 v8, v8;
	v9 =	vsub.f32 v9, v12;
	v12 =	vld [tilespmem:s22+$0x60F0]  }
0x57: {  	v7 =	vadd.f32 v11, v7;
	v11 =	vld [tilespmem:s22+$0x20F0]  }
0x58: {  	v6 =	vadd.f32 v8, v6;
	v8 =	vmul.f32 v9, v9;
	v9 =	vld [tilespmem:s22+$0x6080]  }
0x59: {  	v10 =	vsub.f32 v10, v15;
	v15 =	vld [tilespmem:s22+$0x2080]  }
0x5a: {  	v4 =	vadd.f32 v13, v4;
	v53 =	vld [tilespmem:s22+$0x6090]  }
0x5b: {  	v13 =	vsub.f32 v16, v17;
	v14 =	vsub.f32 v18, v19;
	v55 =	vld [tilespmem:s22+$0x2090]  }
0x5c: {  	v57 =	vld [tilespmem:s22+$0x20A0];
	v5 =	vadd.f32 v8, v5;
	v8 =	vmul.f32 v10, v10;
	v10 =	vsub.f32 v20, v21  }
0x5d: {  	v54 =	vsub.f32 v22, v23;
	v59 =	vld [tilespmem:s22+$0x60B0];
	v13 =	vmul.f32 v13, v13;
	v14 =	vmul.f32 v14, v14  }
0x5e: {  	v60 =	vld [tilespmem:s22+$0x20B0];
	v56 =	vadd.f32 v8, v0;
	v0 =	vmul.f32 v10, v10;
	v8 =	vsub.f32 v24, v25  }
0x5f: {  	v10 =	vld [tilespmem:s22+$0x60A0];
	v13 =	vadd.f32 v13, v1;
	v14 =	vadd.f32 v14, v2;
	v1 =	vmul.f32 v54, v54  }
0x60: {  	v58 =	vadd.f32 v0, v3;
	v2 =	vmul.f32 v8, v8;
	v3 =	vsub.f32 v26, v27  }
0x61: {  	v0 =	vadd.f32 v1, v4;
	v4 =	vsub.f32 v28, v29  }
0x62: {  	v61 =	vld [tilespmem:s22+$0x60C0];
	v1 =	vadd.f32 v2, v7;
	v2 =	vmul.f32 v3, v3;
	v3 =	vsub.f32 v12, v11  }
0x63: {  	v7 =	vsub.f32 v9, v15;
	v4 =	vmul.f32 v4, v4;
	v9 =	vsub.f32 v53, v55;
	v15 =	vld [tilespmem:s22+$0x20C0]  }
0x64: {  	v8 =	vld [tilespmem:s22+$0x60D0];
	v63 =	vsub.f32 v59, v60;
	v10 =	vsub.f32 v10, v57;
	v3 =	vmul.f32 v3, v3  }
0x65: {  	v5 =	vadd.f32 v4, v5;
	v4 =	vmul.f32 v7, v7;
	v11 =	vmul.f32 v9, v9;
	v9 =	vld [tilespmem:s22+$0x20D0]  }
0x66: {  	v12 =	vld [tilespmem:s22+$0x20E0];
	v2 =	vadd.f32 v2, v6;
	v62 =	vmul.f32 v10, v10;
	v6 =	vadd.f32 v3, v56  }
0x67: {  	s21 =	simm.s32 $0x80;
	v10 =	vld [tilespmem:s22+$0x60E0];
	v7 =	vadd.f32 v4, v13;
	v3 =	vadd.f32 v11, v14  }
0x68: {  	s22 =	simm.s32 $0x400;
	v11 =	vld [tilespmem:s21+$0x60F0];
	v13 =	vmul.f32 v63, v63;
	v4 =	vadd.f32 v62, v58;
	v14 =	vsub.f32 v61, v15  }
.LBB2_4:
0x69: {  	p0 =	sne.s32 s22, $0x7E00;
	v15 =	vld [tilespmem:s21+$0x20F0]  }
0x6a: {  	v16 =	vld [tilespmem:s21+$0x6080];
	v0 =	vadd.f32 v13, v0;
	v13 =	vmul.f32 v14, v14;
	v8 =	vsub.f32 v8, v9  }
0x6b: {  	v9 =	vld [tilespmem:s21+$0x2080]  }
0x6c: {  	v14 =	vld [tilespmem:s21+$0x6090];
	v1 =	vadd.f32 v13, v1;
	v8 =	vmul.f32 v8, v8;
	v10 =	vsub.f32 v10, v12  }
0x6d: {  	v12 =	vld [tilespmem:s21+$0x2090]  }
0x6e: {  	v13 =	vld [tilespmem:s21+$0x60A0];
	v11 =	vsub.f32 v11, v15;
	v2 =	vadd.f32 v8, v2;
	v8 =	vmul.f32 v10, v10  }
0x6f: {  	v10 =	vld [tilespmem:s21+$0x20A0]  }
0x70: {  	v9 =	vsub.f32 v16, v9;
	v15 =	vld [tilespmem:s21+$0x60B0];
	v11 =	vmul.f32 v11, v11;
	v5 =	vadd.f32 v8, v5  }
0x71: {  	v16 =	vld [tilespmem:s21+$0x20B0]  }
0x72: {  	v8 =	vmul.f32 v9, v9;
	v9 =	vsub.f32 v14, v12;
	v14 =	vld [tilespmem:s21+$0x60C0];
	v6 =	vadd.f32 v11, v6  }
0x73: {  	v17 =	vld [tilespmem:s21+$0x20C0]  }
.Ltmp1:
0x74: {  	v7 =	vadd.f32 v8, v7;
	v11 =	vmul.f32 v9, v9;
	v10 =	vsub.f32 v13, v10;
	v8 =	vld [tilespmem:s21+$0x60D0];
	(pc) =	sbr.rel @p0 .LBB2_4-.Ltmp1, $4  }
0x75: {  	v9 =	vld [tilespmem:s21+$0x20D0]  }
0x76: {  	v3 =	vadd.f32 v11, v3;
	v13 =	vmul.f32 v10, v10;
	v15 =	vsub.f32 v15, v16;
	v10 =	vld [tilespmem:s21+$0x60E0]  }
0x77: {  	v12 =	vld [tilespmem:s21+$0x20E0];
	s21 =	sshra.s32 s22, $0x2  }
0x78: {  	s22 =	sadd.s32 $0x200, s22;
	v11 =	vld [tilespmem:s21+$0x60F0];
	v4 =	vadd.f32 v13, v4;
	v13 =	vmul.f32 v15, v15;
	v14 =	vsub.f32 v14, v17  }
0x79: {  	v15 =	vld [tilespmem:s21+$0x20F0]  }
0x7a: {  	v16 =	vld [tilespmem:s21+$0x6080]  }
0x7b: {  	v17 =	vld [tilespmem:s21+$0x2080]  }
0x7c: {  	v18 =	vld [tilespmem:s21+$0x6090]  }
0x7d: {  	v19 =	vld [tilespmem:s21+$0x2090]  }
0x7e: {  	v20 =	vld [tilespmem:s21+$0x60A0]  }
0x7f: {  	v21 =	vld [tilespmem:s21+$0x20A0]  }
0x80: {  	v22 =	vld [tilespmem:s21+$0x60B0]  }
0x81: {  	v23 =	vld [tilespmem:s21+$0x20B0]  }
0x82: {  	v24 =	vld [tilespmem:s21+$0x60C0]  }
0x83: {  	v25 =	vld [tilespmem:s21+$0x20C0];
	v8 =	vsub.f32 v8, v9  }
0x84: {  	v48 =	vld [tilespmem:s21+$0x60D0];
	v49 =	vmul.f32 v14, v14  }
0x85: {  	v50 =	vld [tilespmem:s21+$0x20D0];
	v0 =	vadd.f32 v13, v0;
	v47 =	vsub.f32 v10, v12;
	v8 =	vmul.f32 v8, v8  }
0x86: {  	v52 =	vld [tilespmem:s21+$0x60E0];
	v1 =	vadd.f32 v49, v1;
	v11 =	vsub.f32 v11, v15  }
0x87: {  	v53 =	vld [tilespmem:s21+$0x20E0];
	v51 =	vsub.f32 v16, v17;
	v2 =	vadd.f32 v8, v2  }
0x88: {  	v55 =	vsub.f32 v18, v19;
	v56 =	vsub.f32 v20, v21  }
0x89: {  	v9 =	vmul.f32 v47, v47;
	v57 =	vsub.f32 v22, v23;
	v58 =	vsub.f32 v24, v25  }
0x8a: {  	v10 =	vsub.f32 v48, v50;
	v11 =	vmul.f32 v11, v11;
	v54 =	vmul.f32 v51, v51  }
0x8b: {  	v5 =	vadd.f32 v9, v5;
	v9 =	vmul.f32 v55, v55;
	v8 =	vmul.f32 v56, v56  }
0x8c: {  	v12 =	vsub.f32 v52, v53;
	v59 =	vmul.f32 v57, v57;
	v60 =	vmul.f32 v58, v58  }
0x8d: {  	v61 =	vmul.f32 v10, v10;
	v6 =	vadd.f32 v11, v6;
	v7 =	vadd.f32 v54, v7  }
0x8e: {  	v62 =	vmul.f32 v12, v12;
	v3 =	vadd.f32 v9, v3;
	v4 =	vadd.f32 v8, v4  }
0x8f: {  	v0 =	vadd.f32 v59, v0;
	v1 =	vadd.f32 v60, v1  }
0x90: {  	v2 =	vadd.f32 v61, v2;
	v5 =	vadd.f32 v62, v5  }
0x91: {  	v3 =	vadd.f32 v3, v7;
	v0 =	vadd.f32 v0, v4  }
0x92: {  	v1 =	vadd.f32 v2, v1;
	v63 =	vadd.f32 v6, v5;
	_ =	sdelay $0x1  }
0x93: {  	v0 =	vadd.f32 v0, v3;
	v1 =	vadd.f32 v63, v1;
	_ =	sdelay $0x1  }
0x94: {  	s20 =	sadd.s32 $0x1, s20;
	v0 =	vadd.f32 v1, v0  }
0x95: {  	p0 =	sne.s32 s20, s8  }
.Ltmp2:
0x96: {  	[tilespmem:$0x8080] =	vst v0;
	(pc) =	sbr.rel @p0 .LBB2_1-.Ltmp2, $4  }
0x97: {  	[hbm4b:s7+s3] =	stream.linear.scatter [tilespmem:s19], [sflag:$0x5], $0x80, $0x38;
	[tilespmem:$0x8100] =	vst v63  }
0x98: {  	_ =	swait.ge [sflag:s11], $0x80  }
0x99: {  	[sflag:s11] =	ssyncset.done $0x0  }
0x9a: {  	[sflag:s11] =	ssyncadd.s32 $0xFFFFFF80  }
0x9b: {  	_ =	sfence.sel $0x180000  }
0x9c: {  	[bflag:$0x0] =	sbarrier.arrive $0xFFFF  }
0x9d: {  	p0 =	sne.s32 s1, $0x0;
	_ =	strace $0x90000047  }
0x9e: {  	s0 =	sadd.s32 @!p0 $0x100000, s0;
	[bflag:$0x2] =	sbarrier.arrive $0xFFFF  }
0x9f: {  	[sflag:s0] =	ssyncadd.tile.s32 @!p0 $0x1;
	_ =	shalt  }
.Lfunc_end2:
_tile_overlayer_lowered:
.L_overlay_start_2:
0xa0: {  	(tag) =	ssettag $0x2  }
0xa1: {  	s0 =	rddreg [dreg:$0x0];
	s2 =	stileid.u32  }
0xa2: {  	s1 =	rddreg [dreg:$0x1];
	p0 =	sne.s32 s2, $0x0  }
0xa3: {  	s3 =	rddreg [dreg:$0x2];
	[bflag:$0x3] =	sbarrier.arrive $0xFFFF;
	s2 =	simm.s32 @!p0 $0x1C05  }
0xa4: {  	[timem:s3], [sflag:s2] =	dma.local @!p0 [hbm:s0], s1  }
0xa5: {  	s0 =	simm.s32 @!p0 $0x5  }
0xa6: {  	_ =	swait.ge @!p0 [sflag:s0], s1  }
0xa7: {  	s1 =	ssub.s32 @!p0 $0x0, s1;
	[sflag:s0] =	ssyncset.done @!p0 $0x0  }
0xa8: {  	[sflag:s0] =	ssyncadd.s32 @!p0 s1  }
0xa9: {  	[bflag:$0x3] =	sbarrier.arrive $0xFFFF  }
0xaa: {  	_ =	shalt  }

</sc_bundles>
